<compile_context>
chip_gen: v7x
topology: tpu7x:2x2x1
jax: 0.10.2.dev20260603
libtpu: 0.0.44.dev20260713+nightly
codegen_flags: <defaults>
</compile_context>

<pallas_src>
import functools

import jax
import jax.numpy as jnp
from jax import lax
from jax.experimental import pallas as pl
from jax.experimental.pallas import tpu as pltpu
from jax.experimental.pallas import tpu_sc as plsc

N_TOKENS = 9216
DIM = 256
N_CODES = 8192

ROW_BLOCK = 256
N_ROW_BLOCKS = N_TOKENS // ROW_BLOCK

NC, NS = 2, 16
NW = NC * NS
B_PER_W = N_TOKENS // NW


def _argmin_body(x_ref, z2_ref, e2_ref, emb_ref, ind_ref):
    scores = lax.dot_general(
        x_ref[...], emb_ref[...], (((1,), (0,)), ((), ())),
        preferred_element_type=jnp.float32)
    dist = z2_ref[...] - 2.0 * scores + e2_ref[...]
    neg = -dist
    m = jnp.max(neg, axis=1, keepdims=True)
    ids = lax.broadcasted_iota(jnp.int32, neg.shape, 1)
    ind_ref[...] = jnp.min(
        jnp.where(neg == m, ids, jnp.int32(N_CODES)), axis=1, keepdims=True)


_argmin_call = pl.pallas_call(
    _argmin_body,
    grid=(N_ROW_BLOCKS,),
    in_specs=[
        pl.BlockSpec((ROW_BLOCK, DIM), lambda i: (i, 0)),
        pl.BlockSpec((ROW_BLOCK, 1), lambda i: (i, 0)),
        pl.BlockSpec((1, N_CODES), lambda i: (0, 0)),
        pl.BlockSpec((DIM, N_CODES), lambda i: (0, 0)),
    ],
    out_specs=pl.BlockSpec((ROW_BLOCK, 1), lambda i: (i, 0)),
    out_shape=jax.ShapeDtypeStruct((N_TOKENS, 1), jnp.int32),
)


N_CHUNK = 3
CHUNK = B_PER_W // N_CHUNK


@functools.cache
def _make_sc_gather():
    mesh = plsc.VectorSubcoreMesh(
        core_axis_name="c", subcore_axis_name="s", num_cores=NC)

    @functools.partial(
        pl.kernel,
        mesh=mesh,
        out_type=jax.ShapeDtypeStruct((N_TOKENS, DIM), jnp.float32),
        scratch_types=[
            pltpu.VMEM((N_CHUNK, CHUNK), jnp.int32),
            pltpu.VMEM((B_PER_W, DIM), jnp.float32),
            pltpu.SemaphoreType.DMA,
        ],
    )
    def _sc_gather(table_hbm, idx_hbm, out_hbm, idx_v, rows_v, sem):
        wid = lax.axis_index("s") * NC + lax.axis_index("c")
        pltpu.sync_copy(idx_hbm.at[wid], idx_v)
        copies = [
            pltpu.async_copy(table_hbm.at[idx_v.at[j]],
                             rows_v.at[pl.ds(j * CHUNK, CHUNK)], sem)
            for j in range(N_CHUNK)
        ]
        for c in copies:
            c.wait()
        pltpu.sync_copy(rows_v, out_hbm.at[pl.ds(wid * B_PER_W, B_PER_W)])

    return _sc_gather


def _finish_body(x_ref, q_ref, out_ref, acc_ref):
    i = pl.program_id(0)
    x = x_ref[...]
    d = q_ref[...] - x
    out_ref[...] = x + d
    part = jnp.sum(d * d)

    @pl.when(i == 0)
    def _():
        acc_ref[0, 0] = part

    @pl.when(i > 0)
    def _():
        acc_ref[0, 0] += part

    @pl.when(i == pl.num_programs(0) - 1)
    def _():
        acc_ref[0, 0] = acc_ref[0, 0] / jnp.float32(N_TOKENS * DIM)


_finish_call = pl.pallas_call(
    _finish_body,
    grid=(N_ROW_BLOCKS,),
    in_specs=[
        pl.BlockSpec((ROW_BLOCK, DIM), lambda i: (i, 0)),
        pl.BlockSpec((ROW_BLOCK, DIM), lambda i: (i, 0)),
    ],
    out_specs=[
        pl.BlockSpec((ROW_BLOCK, DIM), lambda i: (i, 0)),
        pl.BlockSpec((1, 1), lambda i: (0, 0), memory_space=pltpu.SMEM),
    ],
    out_shape=[
        jax.ShapeDtypeStruct((N_TOKENS, DIM), jnp.float32),
        jax.ShapeDtypeStruct((1, 1), jnp.float32),
    ],
)


def kernel(input, embed):
    b, s, d = input.shape
    flatten = input.reshape(-1, d)
    z2 = jnp.sum(flatten ** 2, axis=1, keepdims=True)
    e2 = jnp.sum(embed ** 2, axis=0, keepdims=True)
    ind2d = _argmin_call(flatten, z2, e2, embed)
    idx = ind2d.reshape(NW, N_CHUNK, CHUNK)
    quantize = _make_sc_gather()(jnp.transpose(embed), idx)
    qst, diff = _finish_call(flatten, quantize)
    return (qst.reshape(b, s, d), diff[0, 0], ind2d.reshape(b, s, 1))

# --- scband reference (transcript-rebuilt; emitter-appended) ---
"""Pipeline reference for scband-vector-quantizer-ema-56813827391972 (READ-ONLY COPY).

The authoritative reference and input builder live on the scoring server;
editing this copy changes nothing except your own understanding.
"""

import jax, jax.numpy as jnp
import numpy as np

N_EMBED = 8192
DIM = 256

def setup_inputs(seed: int = 0) -> dict:
    key = jax.random.key(seed)
    k1, k2 = jax.random.split(key)
    inp = jax.random.normal(k1, (16, 576, DIM), dtype=jnp.float32)
    embed = jax.random.normal(k2, (DIM, N_EMBED), dtype=jnp.float32)
    return {"input": inp, "embed": embed}

def reference(input, embed):
    b, s, d = input.shape
    flatten = input.reshape(-1, d)
    dist = (jnp.sum(flatten ** 2, axis=1, keepdims=True)
            - 2.0 * flatten @ embed
            + jnp.sum(embed ** 2, axis=0, keepdims=True))
    embed_ind = jnp.argmax(-dist, axis=1)
    # embedding lookup: F.embedding(embed_id, embed.T)
    quantize = jnp.take(jnp.transpose(embed), embed_ind, axis=0).reshape(b, s, d)
    diff = jnp.mean((jax.lax.stop_gradient(quantize) - input) ** 2)
    quantize_st = input + jax.lax.stop_gradient(quantize - input)
    return (quantize_st.reshape(b, s, d), diff, embed_ind.reshape(b, s)[..., None])

if __name__ == "__main__":
    import jax
    _d = setup_inputs()
    print(jax.jit(kernel)(*tuple(_d.values())))

</pallas_src>

<mosaic_0001>
#map = affine_map<(d0, d1) -> (0, 0)>
#map1 = affine_map<(d0, d1) -> (0, 0, 0)>
module attributes {stable_mosaic.version = 14 : i64} {
  func.func @_sc_gather(%arg0: i32, %arg1: i32, %arg2: memref<8192x256xf32, #tpu.memory_space<hbm>>, %arg3: memref<32x3x96xi32, #tpu.memory_space<hbm>>, %arg4: memref<9216x256xf32, #tpu.memory_space<hbm>>, %arg5: memref<3x96xi32, #tpu.memory_space<vmem>>, %arg6: memref<288x256xf32, #tpu.memory_space<vmem>>, %arg7: memref<!tpu.dma_semaphore, #tpu.memory_space<semaphore_mem>>) attributes {dimension_semantics = [#tpu.dimension_semantics<core_parallel>, #tpu.dimension_semantics<subcore_parallel>], iteration_bounds = array<i64: 2, 16>, scalar_prefetch = 0 : i64, scratch_operands = 3 : i64, tpu.core_type = #tpu.core_type<sc_vector_subcore>, window_params = [{transform_indices = #map}, {transform_indices = #map1}, {transform_indices = #map}]} {
    %mul3A = arith.constant 2 : i32
    %mul3A_0 = arith.muli %arg1, %mul3A : i32
    %add3A = arith.addi %mul3A_0, %arg0 : i32
    "tpu.region"() ({
      %run_scoped3A = tpu.sem_alloc : memref<!tpu.dma_semaphore, #tpu.memory_space<semaphore_mem>>
      %dma_start3A_61 = arith.constant 0 : i32
      %dma_start3A_62 = arith.constant 0 : i32
      %dma_start3A_63 = tpu.memref_slice %arg3[%add3A, %dma_start3A_61, %dma_start3A_62] : memref<32x3x96xi32, #tpu.memory_space<hbm>> -> memref<1x3x96xi32, #tpu.memory_space<hbm>>
      %dma_start3A_64 = tpu.memref_squeeze %dma_start3A_63 : memref<1x3x96xi32, #tpu.memory_space<hbm>> -> memref<3x96xi32, #tpu.memory_space<hbm>>
      %dma_start3A_65 = arith.constant 0 : i32
      %dma_start3A_66 = arith.constant 0 : i32
      %dma_start3A_67 = tpu.memref_slice %arg3[%add3A, %dma_start3A_65, %dma_start3A_66] : memref<32x3x96xi32, #tpu.memory_space<hbm>> -> memref<1x3x96xi32, #tpu.memory_space<hbm>>
      %dma_start3A_68 = tpu.memref_squeeze %dma_start3A_67 : memref<1x3x96xi32, #tpu.memory_space<hbm>> -> memref<3x96xi32, #tpu.memory_space<hbm>>
      tpu.enqueue_dma source(%dma_start3A_68 : memref<3x96xi32, #tpu.memory_space<hbm>>) target(%arg5 : memref<3x96xi32, #tpu.memory_space<vmem>>) target_semaphore(%run_scoped3A : memref<!tpu.dma_semaphore, #tpu.memory_space<semaphore_mem>>)
      %dma_wait3A_69 = arith.constant 0 : i32
      %dma_wait3A_70 = arith.constant 0 : i32
      %dma_wait3A_71 = tpu.memref_slice %arg3[%add3A, %dma_wait3A_69, %dma_wait3A_70] : memref<32x3x96xi32, #tpu.memory_space<hbm>> -> memref<1x3x96xi32, #tpu.memory_space<hbm>>
      %dma_wait3A_72 = tpu.memref_squeeze %dma_wait3A_71 : memref<1x3x96xi32, #tpu.memory_space<hbm>> -> memref<3x96xi32, #tpu.memory_space<hbm>>
      %dma_wait3A_73 = arith.constant 0 : i32
      %dma_wait3A_74 = arith.constant 0 : i32
      %dma_wait3A_75 = tpu.memref_slice %arg3[%add3A, %dma_wait3A_73, %dma_wait3A_74] : memref<32x3x96xi32, #tpu.memory_space<hbm>> -> memref<1x3x96xi32, #tpu.memory_space<hbm>>
      %dma_wait3A_76 = tpu.memref_squeeze %dma_wait3A_75 : memref<1x3x96xi32, #tpu.memory_space<hbm>> -> memref<3x96xi32, #tpu.memory_space<hbm>>
      tpu.wait_dma2 semaphore(%run_scoped3A : memref<!tpu.dma_semaphore, #tpu.memory_space<semaphore_mem>>) src(%dma_wait3A_76 : memref<3x96xi32, #tpu.memory_space<hbm>>) dst(%arg5 : memref<3x96xi32, #tpu.memory_space<vmem>>)
      tpu.yield
    }) : () -> ()
    %dma_start3A = arith.constant 0 : i32
    %dma_start3A_1 = arith.constant 0 : i32
    %dma_start3A_2 = arith.constant 0 : i32
    %dma_start3A_3 = tpu.memref_slice %arg6[%dma_start3A_1, %dma_start3A_2] : memref<288x256xf32, #tpu.memory_space<vmem>> -> memref<96x256xf32, #tpu.memory_space<vmem>>
    %dma_start3A_4 = arith.constant 0 : i32
    %dma_start3A_5 = tpu.memref_slice %arg5[%dma_start3A, %dma_start3A_4] : memref<3x96xi32, #tpu.memory_space<vmem>> -> memref<1x96xi32, #tpu.memory_space<vmem>>
    %dma_start3A_6 = tpu.memref_squeeze %dma_start3A_5 : memref<1x96xi32, #tpu.memory_space<vmem>> -> memref<96xi32, #tpu.memory_space<vmem>>
    %dma_start3A_7 = arith.constant 0 : i32
    %dma_start3A_8 = arith.constant 0 : i32
    %dma_start3A_9 = tpu.memref_slice %arg2[%dma_start3A_7, %dma_start3A_8] : memref<8192x256xf32, #tpu.memory_space<hbm>> -> memref<8192x256xf32, #tpu.memory_space<hbm>>
    tpu.enqueue_indirect_dma source(%dma_start3A_9 : memref<8192x256xf32, #tpu.memory_space<hbm>>) target(%dma_start3A_3 : memref<96x256xf32, #tpu.memory_space<vmem>>) offsets(%dma_start3A_6 : memref<96xi32, #tpu.memory_space<vmem>>) semaphore(%arg7 : memref<!tpu.dma_semaphore, #tpu.memory_space<semaphore_mem>>)
    %dma_start3A_10 = arith.constant 1 : i32
    %dma_start3A_11 = arith.constant 96 : i32
    %dma_start3A_12 = arith.constant 0 : i32
    %dma_start3A_13 = tpu.memref_slice %arg6[%dma_start3A_11, %dma_start3A_12] : memref<288x256xf32, #tpu.memory_space<vmem>> -> memref<96x256xf32, #tpu.memory_space<vmem>>
    %dma_start3A_14 = arith.constant 0 : i32
    %dma_start3A_15 = tpu.memref_slice %arg5[%dma_start3A_10, %dma_start3A_14] : memref<3x96xi32, #tpu.memory_space<vmem>> -> memref<1x96xi32, #tpu.memory_space<vmem>>
    %dma_start3A_16 = tpu.memref_squeeze %dma_start3A_15 : memref<1x96xi32, #tpu.memory_space<vmem>> -> memref<96xi32, #tpu.memory_space<vmem>>
    %dma_start3A_17 = arith.constant 0 : i32
    %dma_start3A_18 = arith.constant 0 : i32
    %dma_start3A_19 = tpu.memref_slice %arg2[%dma_start3A_17, %dma_start3A_18] : memref<8192x256xf32, #tpu.memory_space<hbm>> -> memref<8192x256xf32, #tpu.memory_space<hbm>>
    tpu.enqueue_indirect_dma source(%dma_start3A_19 : memref<8192x256xf32, #tpu.memory_space<hbm>>) target(%dma_start3A_13 : memref<96x256xf32, #tpu.memory_space<vmem>>) offsets(%dma_start3A_16 : memref<96xi32, #tpu.memory_space<vmem>>) semaphore(%arg7 : memref<!tpu.dma_semaphore, #tpu.memory_space<semaphore_mem>>)
    %dma_start3A_20 = arith.constant 2 : i32
    %dma_start3A_21 = arith.constant 192 : i32
    %dma_start3A_22 = arith.constant 0 : i32
    %dma_start3A_23 = tpu.memref_slice %arg6[%dma_start3A_21, %dma_start3A_22] : memref<288x256xf32, #tpu.memory_space<vmem>> -> memref<96x256xf32, #tpu.memory_space<vmem>>
    %dma_start3A_24 = arith.constant 0 : i32
    %dma_start3A_25 = tpu.memref_slice %arg5[%dma_start3A_20, %dma_start3A_24] : memref<3x96xi32, #tpu.memory_space<vmem>> -> memref<1x96xi32, #tpu.memory_space<vmem>>
    %dma_start3A_26 = tpu.memref_squeeze %dma_start3A_25 : memref<1x96xi32, #tpu.memory_space<vmem>> -> memref<96xi32, #tpu.memory_space<vmem>>
    %dma_start3A_27 = arith.constant 0 : i32
    %dma_start3A_28 = arith.constant 0 : i32
    %dma_start3A_29 = tpu.memref_slice %arg2[%dma_start3A_27, %dma_start3A_28] : memref<8192x256xf32, #tpu.memory_space<hbm>> -> memref<8192x256xf32, #tpu.memory_space<hbm>>
    tpu.enqueue_indirect_dma source(%dma_start3A_29 : memref<8192x256xf32, #tpu.memory_space<hbm>>) target(%dma_start3A_23 : memref<96x256xf32, #tpu.memory_space<vmem>>) offsets(%dma_start3A_26 : memref<96xi32, #tpu.memory_space<vmem>>) semaphore(%arg7 : memref<!tpu.dma_semaphore, #tpu.memory_space<semaphore_mem>>)
    %dma_wait3A = arith.constant 0 : i32
    %dma_wait3A_30 = arith.constant 0 : i32
    %dma_wait3A_31 = arith.constant 0 : i32
    %dma_wait3A_32 = tpu.memref_slice %arg6[%dma_wait3A_30, %dma_wait3A_31] : memref<288x256xf32, #tpu.memory_space<vmem>> -> memref<96x256xf32, #tpu.memory_space<vmem>>
    %dma_wait3A_33 = arith.constant 0 : i32
    %dma_wait3A_34 = tpu.memref_slice %arg5[%dma_wait3A, %dma_wait3A_33] : memref<3x96xi32, #tpu.memory_space<vmem>> -> memref<1x96xi32, #tpu.memory_space<vmem>>
    %dma_wait3A_35 = tpu.memref_squeeze %dma_wait3A_34 : memref<1x96xi32, #tpu.memory_space<vmem>> -> memref<96xi32, #tpu.memory_space<vmem>>
    %dma_wait3A_36 = arith.constant 0 : i32
    %dma_wait3A_37 = arith.constant 0 : i32
    %dma_wait3A_38 = tpu.memref_slice %arg2[%dma_wait3A_36, %dma_wait3A_37] : memref<8192x256xf32, #tpu.memory_space<hbm>> -> memref<8192x256xf32, #tpu.memory_space<hbm>>
    tpu.wait_indirect_dma semaphore(%arg7 : memref<!tpu.dma_semaphore, #tpu.memory_space<semaphore_mem>>) src(%dma_wait3A_38 : memref<8192x256xf32, #tpu.memory_space<hbm>>) dst(%dma_wait3A_32 : memref<96x256xf32, #tpu.memory_space<vmem>>)
    %dma_wait3A_39 = arith.constant 1 : i32
    %dma_wait3A_40 = arith.constant 96 : i32
    %dma_wait3A_41 = arith.constant 0 : i32
    %dma_wait3A_42 = tpu.memref_slice %arg6[%dma_wait3A_40, %dma_wait3A_41] : memref<288x256xf32, #tpu.memory_space<vmem>> -> memref<96x256xf32, #tpu.memory_space<vmem>>
    %dma_wait3A_43 = arith.constant 0 : i32
    %dma_wait3A_44 = tpu.memref_slice %arg5[%dma_wait3A_39, %dma_wait3A_43] : memref<3x96xi32, #tpu.memory_space<vmem>> -> memref<1x96xi32, #tpu.memory_space<vmem>>
    %dma_wait3A_45 = tpu.memref_squeeze %dma_wait3A_44 : memref<1x96xi32, #tpu.memory_space<vmem>> -> memref<96xi32, #tpu.memory_space<vmem>>
    %dma_wait3A_46 = arith.constant 0 : i32
    %dma_wait3A_47 = arith.constant 0 : i32
    %dma_wait3A_48 = tpu.memref_slice %arg2[%dma_wait3A_46, %dma_wait3A_47] : memref<8192x256xf32, #tpu.memory_space<hbm>> -> memref<8192x256xf32, #tpu.memory_space<hbm>>
    tpu.wait_indirect_dma semaphore(%arg7 : memref<!tpu.dma_semaphore, #tpu.memory_space<semaphore_mem>>) src(%dma_wait3A_48 : memref<8192x256xf32, #tpu.memory_space<hbm>>) dst(%dma_wait3A_42 : memref<96x256xf32, #tpu.memory_space<vmem>>)
    %dma_wait3A_49 = arith.constant 2 : i32
    %dma_wait3A_50 = arith.constant 192 : i32
    %dma_wait3A_51 = arith.constant 0 : i32
    %dma_wait3A_52 = tpu.memref_slice %arg6[%dma_wait3A_50, %dma_wait3A_51] : memref<288x256xf32, #tpu.memory_space<vmem>> -> memref<96x256xf32, #tpu.memory_space<vmem>>
    %dma_wait3A_53 = arith.constant 0 : i32
    %dma_wait3A_54 = tpu.memref_slice %arg5[%dma_wait3A_49, %dma_wait3A_53] : memref<3x96xi32, #tpu.memory_space<vmem>> -> memref<1x96xi32, #tpu.memory_space<vmem>>
    %dma_wait3A_55 = tpu.memref_squeeze %dma_wait3A_54 : memref<1x96xi32, #tpu.memory_space<vmem>> -> memref<96xi32, #tpu.memory_space<vmem>>
    %dma_wait3A_56 = arith.constant 0 : i32
    %dma_wait3A_57 = arith.constant 0 : i32
    %dma_wait3A_58 = tpu.memref_slice %arg2[%dma_wait3A_56, %dma_wait3A_57] : memref<8192x256xf32, #tpu.memory_space<hbm>> -> memref<8192x256xf32, #tpu.memory_space<hbm>>
    tpu.wait_indirect_dma semaphore(%arg7 : memref<!tpu.dma_semaphore, #tpu.memory_space<semaphore_mem>>) src(%dma_wait3A_58 : memref<8192x256xf32, #tpu.memory_space<hbm>>) dst(%dma_wait3A_52 : memref<96x256xf32, #tpu.memory_space<vmem>>)
    %mul3A_59 = arith.constant 288 : i32
    %mul3A_60 = arith.muli %add3A, %mul3A_59 : i32
    "tpu.region"() ({
      %run_scoped3A = tpu.sem_alloc : memref<!tpu.dma_semaphore, #tpu.memory_space<semaphore_mem>>
      %dma_start3A_61 = arith.constant 0 : i32
      %dma_start3A_62 = tpu.memref_slice %arg4[%mul3A_60, %dma_start3A_61] : memref<9216x256xf32, #tpu.memory_space<hbm>> -> memref<288x256xf32, #tpu.memory_space<hbm>>
      %dma_start3A_63 = arith.constant 0 : i32
      %dma_start3A_64 = tpu.memref_slice %arg4[%mul3A_60, %dma_start3A_63] : memref<9216x256xf32, #tpu.memory_space<hbm>> -> memref<288x256xf32, #tpu.memory_space<hbm>>
      tpu.enqueue_dma source(%arg6 : memref<288x256xf32, #tpu.memory_space<vmem>>) target(%dma_start3A_64 : memref<288x256xf32, #tpu.memory_space<hbm>>) target_semaphore(%run_scoped3A : memref<!tpu.dma_semaphore, #tpu.memory_space<semaphore_mem>>)
      %dma_wait3A_65 = arith.constant 0 : i32
      %dma_wait3A_66 = tpu.memref_slice %arg4[%mul3A_60, %dma_wait3A_65] : memref<9216x256xf32, #tpu.memory_space<hbm>> -> memref<288x256xf32, #tpu.memory_space<hbm>>
      %dma_wait3A_67 = arith.constant 0 : i32
      %dma_wait3A_68 = tpu.memref_slice %arg4[%mul3A_60, %dma_wait3A_67] : memref<9216x256xf32, #tpu.memory_space<hbm>> -> memref<288x256xf32, #tpu.memory_space<hbm>>
      tpu.wait_dma2 semaphore(%run_scoped3A : memref<!tpu.dma_semaphore, #tpu.memory_space<semaphore_mem>>) src(%arg6 : memref<288x256xf32, #tpu.memory_space<vmem>>) dst(%dma_wait3A_68 : memref<288x256xf32, #tpu.memory_space<hbm>>)
      tpu.yield
    }) : () -> ()
    return
  }
}

module attributes {stable_mosaic.version = 14 : i64} {
  func.func @_argmin_body(%arg0: i32, %arg1: memref<256x256xf32, #tpu.memory_space<vmem>>, %arg2: memref<256x1xf32, #tpu.memory_space<vmem>>, %arg3: memref<1x8192xf32, #tpu.memory_space<vmem>>, %arg4: memref<256x8192xf32, #tpu.memory_space<vmem>>, %arg5: memref<256x1xi32, #tpu.memory_space<vmem>>) attributes {dimension_semantics = [#tpu.dimension_semantics<arbitrary>], iteration_bounds = array<i64: 36>, scalar_prefetch = 0 : i64, scratch_operands = 0 : i64, tpu.core_type = #tpu.core_type<tc>, window_params = [{transform_indices = @transform_0, window_bounds = array<i64: 256, 256>}, {transform_indices = @transform_1, window_bounds = array<i64: 256, 1>}, {pipeline_mode = #tpu.pipeline_mode<synchronous>, transform_indices = @transform_2, window_bounds = array<i64: 1, 8192>}, {pipeline_mode = #tpu.pipeline_mode<synchronous>, transform_indices = @transform_3, window_bounds = array<i64: 256, 8192>}, {transform_indices = @transform_4, window_bounds = array<i64: 256, 1>}]} {
    %get3A = arith.constant 0 : index
    %get3A_0 = arith.constant 0 : index
    %get3A_1 = vector.load %arg1[%get3A, %get3A_0] : memref<256x256xf32, #tpu.memory_space<vmem>>, vector<256x256xf32>
    %get3A_2 = arith.constant 0 : index
    %get3A_3 = arith.constant 0 : index
    %get3A_4 = vector.load %arg4[%get3A_2, %get3A_3] : memref<256x8192xf32, #tpu.memory_space<vmem>>, vector<256x8192xf32>
    %dot_general3A = arith.constant dense<0.000000e+00> : vector<256x8192xf32>
    %dot_general3A_5 = tpu.matmul %get3A_1, %get3A_4, %dot_general3A {dimension_numbers = #tpu.dot_dimension_numbers<[1], [0], [0], [1], [0, 0, 1, 1], [], []>, transpose_lhs_hint = false} : vector<256x256xf32>, vector<256x8192xf32>, vector<256x8192xf32> -> vector<256x8192xf32>
    %get3A_6 = arith.constant 0 : index
    %get3A_7 = arith.constant 0 : index
    %get3A_8 = vector.load %arg2[%get3A_6, %get3A_7] : memref<256x1xf32, #tpu.memory_space<vmem>>, vector<256x1xf32>
    %mul3A = arith.constant 2.000000e+00 : f32
    %mul3A_9 = vector.broadcast %mul3A : f32 to vector<256x8192xf32>
    %mul3A_10 = arith.mulf %mul3A_9, %dot_general3A_5 : vector<256x8192xf32>
    %sub3A = vector.broadcast %get3A_8 : vector<256x1xf32> to vector<256x8192xf32>
    %sub3A_11 = arith.subf %sub3A, %mul3A_10 : vector<256x8192xf32>
    %get3A_12 = arith.constant 0 : index
    %get3A_13 = arith.constant 0 : index
    %get3A_14 = vector.load %arg3[%get3A_12, %get3A_13] : memref<1x8192xf32, #tpu.memory_space<vmem>>, vector<1x8192xf32>
    %add3A = vector.broadcast %get3A_14 : vector<1x8192xf32> to vector<256x8192xf32>
    %add3A_15 = arith.addf %sub3A_11, %add3A : vector<256x8192xf32>
    %neg3A = arith.constant 0.000000e+00 : f32
    %neg3A_16 = vector.broadcast %neg3A : f32 to vector<256x8192xf32>
    %neg3A_17 = arith.subf %neg3A_16, %add3A_15 : vector<256x8192xf32>
    %reduce_max3A = arith.constant dense<0xFF800000> : vector<256xf32>
    %reduce_max3A_18 = vector.multi_reduction <maximumf>, %neg3A_17, %reduce_max3A [1] : vector<256x8192xf32> to vector<256xf32>
    %broadcast_in_dim3A = vector.shape_cast %reduce_max3A_18 : vector<256xf32> to vector<256x1xf32>
    %iota3A = tpu.iota {dimensions = array<i32: 1>} : vector<256x8192xi32>
    %eq3A = vector.broadcast %broadcast_in_dim3A : vector<256x1xf32> to vector<256x8192xf32>
    %eq3A_19 = arith.cmpf oeq, %neg3A_17, %eq3A : vector<256x8192xf32>
    %jit3A = arith.constant 8192 : i32
    %broadcast_in_dim3A_20 = vector.broadcast %jit3A : i32 to vector<256x8192xi32>
    %select_n3A = arith.select %eq3A_19, %iota3A, %broadcast_in_dim3A_20 : vector<256x8192xi1>, vector<256x8192xi32>
    %reduce_min3A = arith.constant dense<2147483647> : vector<256xi32>
    %reduce_min3A_21 = vector.multi_reduction <minsi>, %select_n3A, %reduce_min3A [1] : vector<256x8192xi32> to vector<256xi32>
    %broadcast_in_dim3A_22 = vector.shape_cast %reduce_min3A_21 : vector<256xi32> to vector<256x1xi32>
    %swap3A = arith.constant 0 : index
    %swap3A_23 = arith.constant 0 : index
    %swap3A_24 = vector.load %arg5[%swap3A, %swap3A_23] : memref<256x1xi32, #tpu.memory_space<vmem>>, vector<256x1xi32>
    tpu.vector_store %arg5[%swap3A, %swap3A_23], %broadcast_in_dim3A_22 {strides = array<i32>} : memref<256x1xi32, #tpu.memory_space<vmem>>, vector<256x1xi32>,
    return
  }
  func.func @transform_0(%arg0: i32) -> (i32, i32) {
    %c0_i32 = arith.constant 0 : i32
    %c0_i32_0 = arith.constant 0 : i32
    return %arg0, %c0_i32 : i32, i32
  }
  func.func @transform_1(%arg0: i32) -> (i32, i32) {
    %c0_i32 = arith.constant 0 : i32
    %c0_i32_0 = arith.constant 0 : i32
    return %arg0, %c0_i32 : i32, i32
  }
  func.func @transform_2(%arg0: i32) -> (i32, i32) {
    %c0_i32 = arith.constant 0 : i32
    %c0_i32_0 = arith.constant 0 : i32
    %c0_i32_1 = arith.constant 0 : i32
    return %c0_i32, %c0_i32_0 : i32, i32
  }
  func.func @transform_3(%arg0: i32) -> (i32, i32) {
    %c0_i32 = arith.constant 0 : i32
    %c0_i32_0 = arith.constant 0 : i32
    %c0_i32_1 = arith.constant 0 : i32
    return %c0_i32, %c0_i32_0 : i32, i32
  }
  func.func @transform_4(%arg0: i32) -> (i32, i32) {
    %c0_i32 = arith.constant 0 : i32
    %c0_i32_0 = arith.constant 0 : i32
    return %arg0, %c0_i32 : i32, i32
  }
}

module attributes {stable_mosaic.version = 14 : i64} {
  func.func @_finish_body(%arg0: i32, %arg1: memref<256x256xf32, #tpu.memory_space<vmem>>, %arg2: memref<256x256xf32, #tpu.memory_space<vmem>>, %arg3: memref<256x256xf32, #tpu.memory_space<vmem>>, %arg4: memref<1x1xf32, #tpu.memory_space<smem>>) attributes {dimension_semantics = [#tpu.dimension_semantics<arbitrary>], iteration_bounds = array<i64: 36>, scalar_prefetch = 0 : i64, scratch_operands = 0 : i64, tpu.core_type = #tpu.core_type<tc>, window_params = [{transform_indices = @transform_0, window_bounds = array<i64: 256, 256>}, {transform_indices = @transform_1, window_bounds = array<i64: 256, 256>}, {transform_indices = @transform_2, window_bounds = array<i64: 256, 256>}, {transform_indices = @transform_3, window_bounds = array<i64: 1, 1>}]} {
    %get3A = arith.constant 0 : index
    %get3A_0 = arith.constant 0 : index
    %get3A_1 = vector.load %arg1[%get3A, %get3A_0] : memref<256x256xf32, #tpu.memory_space<vmem>>, vector<256x256xf32>
    %get3A_2 = arith.constant 0 : index
    %get3A_3 = arith.constant 0 : index
    %get3A_4 = vector.load %arg2[%get3A_2, %get3A_3] : memref<256x256xf32, #tpu.memory_space<vmem>>, vector<256x256xf32>
    %sub3A = arith.subf %get3A_4, %get3A_1 : vector<256x256xf32>
    %add3A = arith.addf %get3A_1, %sub3A : vector<256x256xf32>
    %swap3A = arith.constant 0 : index
    %swap3A_5 = arith.constant 0 : index
    %swap3A_6 = vector.load %arg3[%swap3A, %swap3A_5] : memref<256x256xf32, #tpu.memory_space<vmem>>, vector<256x256xf32>
    tpu.vector_store %arg3[%swap3A, %swap3A_5], %add3A {strides = array<i32>} : memref<256x256xf32, #tpu.memory_space<vmem>>, vector<256x256xf32>,
    %mul3A = arith.mulf %sub3A, %sub3A : vector<256x256xf32>
    %reduce_sum3A = vector.shape_cast %mul3A : vector<256x256xf32> to vector<1x256x256xf32>
    %reduce_sum3A_7 = arith.constant dense<0.000000e+00> : vector<1xf32>
    %reduce_sum3A_8 = vector.multi_reduction <add>, %reduce_sum3A, %reduce_sum3A_7 [1, 2] : vector<1x256x256xf32> to vector<1xf32>
    %reduce_sum3A_9 = vector.shape_cast %reduce_sum3A_8 : vector<1xf32> to vector<1x1x1xf32>
    %reduce_sum3A_10 = vector.extract %reduce_sum3A_9[0, 0, 0] : f32 from vector<1x1x1xf32>
    %eq3A = arith.constant 0 : i32
    %eq3A_11 = arith.cmpi eq, %arg0, %eq3A : i32
    %convert_element_type3A = arith.extui %eq3A_11 : i1 to i32
    %cond3A = arith.constant 0 : i32
    %cond3A_12 = arith.cmpi ne, %convert_element_type3A, %cond3A : i32
    scf.if %cond3A_12 {
      %swap3A_22 = arith.constant 0 : index
      %swap3A_23 = arith.constant 0 : index
      %swap3A_24 = memref.load %arg4[%swap3A_22, %swap3A_23] : memref<1x1xf32, #tpu.memory_space<smem>>
      memref.store %reduce_sum3A_10, %arg4[%swap3A_22, %swap3A_23] : memref<1x1xf32, #tpu.memory_space<smem>>
    } else {
    }
    %gt3A = arith.constant 0 : i32
    %gt3A_13 = arith.cmpi sgt, %arg0, %gt3A : i32
    %convert_element_type3A_14 = arith.extui %gt3A_13 : i1 to i32
    %cond3A_15 = arith.constant 0 : i32
    %cond3A_16 = arith.cmpi ne, %convert_element_type3A_14, %cond3A_15 : i32
    scf.if %cond3A_16 {
      %get3A_22 = arith.constant 0 : index
      %get3A_23 = arith.constant 0 : index
      %get3A_24 = memref.load %arg4[%get3A_22, %get3A_23] : memref<1x1xf32, #tpu.memory_space<smem>>
      %add3A_25 = arith.addf %get3A_24, %reduce_sum3A_10 : f32
      %swap3A_26 = arith.constant 0 : index
      %swap3A_27 = arith.constant 0 : index
      %swap3A_28 = memref.load %arg4[%swap3A_26, %swap3A_27] : memref<1x1xf32, #tpu.memory_space<smem>>
      memref.store %add3A_25, %arg4[%swap3A_26, %swap3A_27] : memref<1x1xf32, #tpu.memory_space<smem>>
    } else {
    }
    %eq3A_17 = arith.constant 35 : i32
    %eq3A_18 = arith.cmpi eq, %arg0, %eq3A_17 : i32
    %convert_element_type3A_19 = arith.extui %eq3A_18 : i1 to i32
    %cond3A_20 = arith.constant 0 : i32
    %cond3A_21 = arith.cmpi ne, %convert_element_type3A_19, %cond3A_20 : i32
    scf.if %cond3A_21 {
      %get3A_22 = arith.constant 0 : index
      %get3A_23 = arith.constant 0 : index
      %get3A_24 = memref.load %arg4[%get3A_22, %get3A_23] : memref<1x1xf32, #tpu.memory_space<smem>>
      %div3A = arith.constant 0x4A100000 : f32
      %div3A_25 = arith.divf %get3A_24, %div3A : f32
      %swap3A_26 = arith.constant 0 : index
      %swap3A_27 = arith.constant 0 : index
      %swap3A_28 = memref.load %arg4[%swap3A_26, %swap3A_27] : memref<1x1xf32, #tpu.memory_space<smem>>
      memref.store %div3A_25, %arg4[%swap3A_26, %swap3A_27] : memref<1x1xf32, #tpu.memory_space<smem>>
    } else {
    }
    return
  }
  func.func @transform_0(%arg0: i32) -> (i32, i32) {
    %c0_i32 = arith.constant 0 : i32
    %c0_i32_0 = arith.constant 0 : i32
    return %arg0, %c0_i32 : i32, i32
  }
  func.func @transform_1(%arg0: i32) -> (i32, i32) {
    %c0_i32 = arith.constant 0 : i32
    %c0_i32_0 = arith.constant 0 : i32
    return %arg0, %c0_i32 : i32, i32
  }
  func.func @transform_2(%arg0: i32) -> (i32, i32) {
    %c0_i32 = arith.constant 0 : i32
    %c0_i32_0 = arith.constant 0 : i32
    return %arg0, %c0_i32 : i32, i32
  }
  func.func @transform_3(%arg0: i32) -> (i32, i32) {
    %c0_i32 = arith.constant 0 : i32
    %c0_i32_0 = arith.constant 0 : i32
    %c0_i32_1 = arith.constant 0 : i32
    return %c0_i32, %c0_i32_0 : i32, i32
  }
}

</mosaic_0001>

<sc_bundles>
// kernel: kernel.5.cloned.1.call-start
scs
__scs_entry_jumppad:
0x0: {  	(pc) =	sbr.rel $0x88, $3  }
0x1: {  	(tag) =	ssettag $0x0;
	lr =	simm.s32 $0x1  }
0x2: {  	[smem:$0x3F9F] =	sst lr;
	_ =	strace $0xD0000000  }
0x3: {  	_ = 	snop  }
0x4: {  	_ = 	snop  }
0x5: {  	_ = 	snop  }
0x6: {  	_ = 	snop  }
0x7: {  	_ = 	snop  }
__scs_overlays_trampoline_lowered:
0x8: {  	[smem:$0x3FAE] =	sst s0  }
0x9: {  	[smem:$0x3FAF] =	sst s1  }
0xa: {  	[smem:$0x3FB0] =	sst s2  }
0xb: {  	[smem:$0x3FB1] =	sst s3  }
0xc: {  	[smem:$0x3FB2] =	sst s4  }
0xd: {  	[smem:$0x3FB3] =	sst s5  }
0xe: {  	[smem:$0x3FB4] =	sst s6  }
0xf: {  	[smem:$0x3FB5] =	sst s7  }
0x10: {  	[smem:$0x3FB6] =	sst s8  }
0x11: {  	[smem:$0x3FB7] =	sst s9;
	s0 =	simm.s32 @!p0 $0x0  }
0x12: {  	s1 =	sld [smem:$0x3F9D];
	s0 =	simm.s32 @p0 $0x1  }
0x13: {  	[smem:$0x3FB8] =	sst s0;
	s0 =	simm.s32 @!p1 $0x0  }
0x14: {  	s2 =	sld [smem:$0x3F9C];
	s0 =	simm.s32 @p1 $0x1  }
0x15: {  	[smem:$0x3FB9] =	sst s0;
	s0 =	simm.s32 @!p2 $0x0  }
0x16: {  	s3 =	sld [smem:$0x3FDB];
	s0 =	simm.s32 @p2 $0x1  }
0x17: {  	s4 =	simm.s32 $0x1BF5;
	[smem:$0x3FBB] =	sst s0  }
0x18: {  	s0 =	sld [smem:$0x3F9E];
	_ =	swait.ge [sflag:s4], $0x0  }
0x19: {  	s7 =	sld [smem:$0x3F9F]  }
0x1a: {  	s8 =	sadd.s32 $0xFFFFE003, lr  }
0x1b: {  	s9 =	sadd.s32 $0xFFFFFEF7, lr;
	s5 =	simm.s32 $0xFFFFFFFF;
	p2 =	slt.u32 s8, $0xFFFFF086  }
0x1c: {  	p1 =	slt.u32 s9, $0xF7A;
	s5 =	simm.s32 @!p2 $0x0  }
0x1d: {  	s5 =	simm.s32 @p1 $0x1;
	p0 =	seq.s32 s7, s2  }
0x1e: {  	s7 =	smul.u32 @!p0 $0xF7A, s2;
	p2 =	seq.s32 @!p0 s5, $0x0  }
0x1f: {  	s9 =	smul.u32 $0xF7A, s1;
	s8 =	simm.s32 @!p0 $0x1BF5;
	p2 =	por !p2, p0  }
0x20: {  	[sflag:s8] =	ssyncset.s32 @!p0 $0xFFFFF086;
	s6 =	sadd.s32 @!p0 s3, s7;
	s7 =	simm.s32 @!p0 $0x108  }
0x21: {  	s3 =	sadd.s32 s3, s9;
	s6 =	sadd.s32 @!p0 $0x88, s6;
	s7 =	simm.s32 @p2 $0x1082  }
0x22: {  	[simem:s7], [sflag:s8] =	dma.local @!p0 [hbm:s6], $0xF7A  }
0x23: {  	s9 =	sor.u32 $0xD0000000, s2;
	s6 =	simm.s32 $0x108;
	_ =	swait.ge @!p0 [sflag:s8], $0x0  }
0x24: {  	s3 =	sadd.s32 $0x88, s3;
	s6 =	simm.s32 @!p1 $0x1082;
	[sflag:s4] =	ssyncset.s32 $0xFFFFF086  }
0x25: {  	[simem:s6], [sflag:s4] =	dma.local [hbm:s3], $0xF7A  }
0x26: {  	[smem:$0x3F9F] =	sst s1;
	(tag) =	ssettag s2;
	_ =	strace s9  }
0x27: {  	s1 =	sld [smem:$0x3FAF]  }
0x28: {  	s2 =	sld [smem:$0x3FB0]  }
0x29: {  	s4 =	sld [smem:$0x3FB2]  }
0x2a: {  	p0 =	seq.s32 s5, $0x0;
	s5 =	sld [smem:$0x3FB3]  }
0x2b: {  	s6 =	sld [smem:$0x3FB4]  }
0x2c: {  	s7 =	sld [smem:$0x3FB5]  }
0x2d: {  	s3 =	simm.s32 $0x108;
	s8 =	sld [smem:$0x3FB6]  }
0x2e: {  	s3 =	simm.s32 @!p0 $0x1082;
	s9 =	sld [smem:$0x3FB7]  }
0x2f: {  	lr =	sadd.s32 s0, s3;
	s0 =	sld [smem:$0x3FAE]  }
0x30: {  	s3 =	sld [smem:$0x3FB1]  }
0x31: {  	[smem:$0x3FBA] =	sst s10  }
0x32: {  	s10 =	sld [smem:$0x3FB8];
	_ =	sdelay $0x3  }
0x33: {  	p0 =	seq.s32 s10, $0x1;
	s10 =	sld [smem:$0x3FBA];
	_ =	sdelay $0x3  }
0x34: {  	[smem:$0x3FBA] =	sst s10  }
0x35: {  	s10 =	sld [smem:$0x3FB9];
	_ =	sdelay $0x3  }
0x36: {  	p1 =	seq.s32 s10, $0x1;
	s10 =	sld [smem:$0x3FBA];
	_ =	sdelay $0x3  }
0x37: {  	[smem:$0x3FBA] =	sst s10  }
0x38: {  	s10 =	sld [smem:$0x3FBB]  }
0x39: {  	_ = 	snop;
	(pc) =	sbr.ind lr, $3  }
0x3a: {  	_ = 	snop  }
0x3b: {  	_ = 	snop  }
0x3c: {  	p2 =	seq.s32 s10, $0x1;
	s10 =	sld [smem:$0x3FBA]  }
0x3d: {  	_ =	shalt  }
0x3e: {  	_ =	shalt  }
0x3f: {  	_ =	shalt  }
0x40: {  	_ =	shalt  }
0x41: {  	_ =	shalt  }
0x42: {  	_ =	shalt  }
0x43: {  	_ =	shalt  }
0x44: {  	_ =	shalt  }
0x45: {  	_ =	shalt  }
0x46: {  	_ =	shalt  }
0x47: {  	_ =	shalt  }
0x48: {  	_ =	shalt  }
0x49: {  	_ =	shalt  }
0x4a: {  	_ =	shalt  }
0x4b: {  	_ =	shalt  }
0x4c: {  	_ =	shalt  }
0x4d: {  	_ =	shalt  }
0x4e: {  	_ =	shalt  }
0x4f: {  	_ =	shalt  }
0x50: {  	_ =	shalt  }
0x51: {  	_ =	shalt  }
0x52: {  	_ =	shalt  }
0x53: {  	_ =	shalt  }
0x54: {  	_ =	shalt  }
0x55: {  	_ =	shalt  }
0x56: {  	_ =	shalt  }
0x57: {  	_ =	shalt  }
0x58: {  	_ =	shalt  }
0x59: {  	_ =	shalt  }
0x5a: {  	_ =	shalt  }
0x5b: {  	_ =	shalt  }
0x5c: {  	_ =	shalt  }
0x5d: {  	_ =	shalt  }
0x5e: {  	_ =	shalt  }
0x5f: {  	_ =	shalt  }
0x60: {  	_ =	shalt  }
0x61: {  	_ =	shalt  }
0x62: {  	_ =	shalt  }
0x63: {  	_ =	shalt  }
0x64: {  	_ =	shalt  }
0x65: {  	_ =	shalt  }
0x66: {  	_ =	shalt  }
0x67: {  	_ =	shalt  }
0x68: {  	_ =	shalt  }
0x69: {  	_ =	shalt  }
0x6a: {  	_ =	shalt  }
0x6b: {  	_ =	shalt  }
0x6c: {  	_ =	shalt  }
0x6d: {  	_ =	shalt  }
0x6e: {  	_ =	shalt  }
0x6f: {  	_ =	shalt  }
0x70: {  	_ =	shalt  }
0x71: {  	_ =	shalt  }
0x72: {  	_ =	shalt  }
0x73: {  	_ =	shalt  }
0x74: {  	_ =	shalt  }
0x75: {  	_ =	shalt  }
0x76: {  	_ =	shalt  }
0x77: {  	_ =	shalt  }
0x78: {  	_ =	shalt  }
0x79: {  	_ =	shalt  }
0x7a: {  	_ =	shalt  }
0x7b: {  	_ =	shalt  }
0x7c: {  	_ =	shalt  }
0x7d: {  	_ =	shalt  }
0x7e: {  	_ =	shalt  }
0x7f: {  	_ =	shalt  }
0x80: {  	_ =	shalt  }
0x81: {  	_ =	shalt  }
0x82: {  	_ =	shalt  }
0x83: {  	_ =	shalt  }
0x84: {  	_ =	shalt  }
0x85: {  	_ =	shalt  }
0x86: {  	_ =	shalt  }
0x87: {  	_ =	shalt  }
.Lfunc_end0:
.L_simem_size_0:
called_computation_lowered:
.L_overlay_start_0:
0x88: {  	s2 =	sld [smem:$0x3FD9]  }
0x89: {  	s3 =	sld [smem:$0x3FFE];
	_ =	sdelay $0x1  }
0x8a: {  	s1 =	srdreg.scid  }
0x8b: {  	s0 =	sand.u32 $0x1, s1  }
0x8c: {  	s14 =	sshll.u32 s0, $0xA;
	s2 =	sadd.s32 s3, s2  }
0x8d: {  	s2 =	sadd.s32 s2, s14  }
0x8e: {  	[smem:$0x3FC6] =	sst s2  }
0x8f: {  	_ = 	snop  }
0x90: {  	s2 =	sld [smem:$0x3FD0];
	_ =	sdelay $0x2  }
0x91: {  	s15 =	simm.s32 $0xA;
	s4 =	simm.s32 $0x10  }
0x92: {  	[smem:s4], [sflag:s15] =	dma.local [hbm:s2], $0x1  }
0x93: {  	_ =	swait.eq [sflag:s15], $0x1  }
0x94: {  	[sflag:s15] =	ssyncset.done $0x0  }
0x95: {  	[sflag:s15] =	ssyncadd.s32 $0xFFFFFFFF  }
0x96: {  	s16 =	sld [smem:$0x10];
	(tm) =	ssettm $0x1  }
0x97: {  	s17 =	sld [smem:$0x3FFB];
	_ =	sdelay $0x3  }
0x98: {  	_ =	strace s17  }
0x99: {  	s3 =	sld [smem:$0x3FFC];
	_ =	sdelay $0x3  }
0x9a: {  	_ =	strace s3  }
0x9b: {  	s3 =	sld [smem:$0x3FFD];
	_ =	sdelay $0x3  }
0x9c: {  	_ =	strace s3  }
0x9d: {  	_ =	strace $0x8FFFFFFF  }
0x9e: {  	s18 =	sld [smem:$0x3FDB];
	_ =	sdelay $0x1  }
0x9f: {  	s19 =	simm.s32 $_scs_section_size  }
0xa0: {  	s5 =	simm.s32 $_size__tile_overlayer_lowered;
	s6 =	simm.s32 $_tile_overlayer_lowered  }
0xa1: {  	s22 =	simm.s32 $0x1BFF;
	s21 =	sshll.u32 s6, $0x1;
	s3 =	sadd.s32 s19, s18  }
0xa2: {  	s7 =	simm.s32 $0x0;
	s20 =	sshll.u32 s5, $0x1;
	s5 =	sadd.s32 s21, s3  }
0xa3: {  	[timem:s7], [sflag:s22] =	dma.local [hbm:s5], s20  }
0xa4: {  	_ =	swait.ge [sflag:s22], s20  }
0xa5: {  	s4 =	ssub.s32 $0x0, s20;
	[sflag:s22] =	ssyncset.done $0x0  }
0xa6: {  	[sflag:s22] =	ssyncadd.s32 s4;
	_ =	sdelay $0x1  }
0xa7: {  	s23 =	simm.s32 $0x1B8B  }
0xa8: {  	_ =	swait.ge [sflag:s23], $0x1  }
0xa9: {  	[sflag:s23] =	ssyncset.done $0x0  }
0xaa: {  	s25 =	simm.s32 $0x1B8E;
	s24 =	sld [smem:$0x3FFE];
	[sflag:s23] =	ssyncadd.s32 $0xFFFFFFFF  }
0xab: {  	s26 =	simm.s32 $execute0_lowered;
	[smem:$0x3FD2] =	sst s25  }
0xac: {  	s5 =	sshll.u32 s26, $0x1;
	_ =	strace $0x80000046;
	[dreg:$0x1] =	wrdreg $0xFFFFFFFF  }
0xad: {  	s28 =	simm.s32 $_size_execute0_lowered;
	s3 =	sadd.s32 s3, s5;
	[dreg:$0x0] =	wrdreg $0x0  }
0xae: {  	s5 =	sshll.u32 s28, $0x1;
	[dreg:$0x2] =	wrdreg s3  }
0xaf: {  	[dreg:$0x3] =	wrdreg s5  }
0xb0: {  	[dreg:$0x4] =	wrdreg $0xC0  }
0xb1: {  	_ =	task [dreg:s7], $0x5FFFF  }
0xb2: {  	[dreg:$0x1] =	wrdreg $0xFFFFFFFF  }
0xb3: {  	[dreg:$0x0] =	wrdreg $0x60  }
0xb4: {  	[dreg:$0x2] =	wrdreg s24  }
0xb5: {  	[dreg:$0x3] =	wrdreg s16  }
0xb6: {  	[dreg:$0x4] =	wrdreg $0x9  }
0xb7: {  	_ =	task.clear_ibuf [dreg:s7], $0x5FFFF;
	_ =	strace $0x90000046  }
0xb8: {  	s29 =	simm.s32 $0x9;
	_ =	strace $0x80000048  }
0xb9: {  	_ =	swait.ge [sflag:s29], $0x1  }
0xba: {  	[sflag:s29] =	ssyncadd.s32 $0xFFFFFFFF  }
0xbb: {  	_ =	strace $0x90000048  }
0xbc: {  	_ =	sfence  }
0xbd: {  	s30 =	sld [smem:$0x0];
	_ =	sdelay $0x2  }
0xbe: {  	s31 =	sshll.u32 s1, $0xD;
	s1 =	sshrl.u32 s1, $0x2  }
0xbf: {  	s3 =	sand.u32 $0x4000, s31;
	s1 =	sadd.s32 s1, s30  }
0xc0: {  	s0 =	sor.u32 s3, s0;
	s1 =	sshll.u32 s1, $0x11  }
0xc1: {  	s0 =	sor.u32 s1, s0  }
0xc2: {  	s0 =	sadd.s32 $0x8F2B, s0  }
0xc3: {  	[sflag:s0] =	ssyncadd.remote.s32 $0x1  }
0xc4: {  	_ =	sfence.sel $0xFFFF  }
0xc5: {  	[dreg:$0x0] =	wrdreg $0xFFFFFFFF;
	(pc) =	sbr.abs _section_cstart, $3  }
0xc6: {  	[dreg:$0x1] =	wrdreg $0xFFFFFFFF  }
0xc7: {  	_ =	task.clear_ibuf [dreg:s7], $0x2FFFF;
	_ =	strace $0x9FFFFFFF  }
0xc8: {  	(tm) =	ssettm $0x7FFFFFFF  }
0xc9: {  	_ =	shalt  }
tec
execute0_lowered:
.L_overlay_start_1:
0x0: {  	(tag) =	ssettag $0x1  }
0x1: {  	s1 =	srdreg.scid;
	s3 =	rddreg [dreg:$0x0]  }
0x2: {  	s0 =	stileid.u32;
	s4 =	rddreg [dreg:$0x1]  }
0x3: {  	s15 =	simm.s32 $0xA00;
	s16 =	simm.s32 $0x1200;
	s17 =	simm.s32 $0x1A00  }
0x4: {  	s18 =	simm.s32 $0x2200;
	s19 =	simm.s32 $0x2A00;
	s20 =	simm.s32 $0x3200  }
0x5: {  	s21 =	simm.s32 $0x3A00;
	s1 =	sand.u32 $0x1, s1;
	s2 =	sshll.u32 s0, $0x1  }
0x6: {  	s23 =	simm.s32 $0x4200;
	s5 =	sor.u32 s1, s2;
	s2 =	simm.s32 $0x0  }
0x7: {  	s24 =	simm.s32 $0x4A00;
	s25 =	simm.s32 $0x5200;
	[smem:$0x7FF] =	sst s2  }
0x8: {  	s26 =	simm.s32 $0x5A00;
	_ =	strace $0x80000047;
	[dreg:$0x5] =	wrdreg s15  }
0x9: {  	s8 =	simm.s32 $0x6A00;
	s9 =	simm.s32 $0x7200;
	[dreg:$0x6] =	wrdreg s16  }
0xa: {  	s10 =	simm.s32 $0x7A00;
	s11 =	simm.s32 $0x8200;
	[dreg:$0x7] =	wrdreg s17  }
0xb: {  	s12 =	simm.s32 $0x8A00;
	s13 =	simm.s32 $0x9200;
	[dreg:$0x8] =	wrdreg s18  }
0xc: {  	s14 =	simm.s32 $0x9A00;
	s28 =	simm.s32 $0x10200;
	[dreg:$0x9] =	wrdreg s19  }
0xd: {  	s29 =	simm.s32 $0x10A00;
	s30 =	simm.s32 $0x11200;
	[dreg:$0xa] =	wrdreg s20  }
0xe: {  	s31 =	simm.s32 $0x11A00;
	s1 =	ssub.s32 $0x2, s1;
	[dreg:$0xb] =	wrdreg s21  }
0xf: {  	s6 =	sshll.u32 s5, $0x6;
	s5 =	smul.u32 $0x2400, s5;
	[dreg:$0xc] =	wrdreg s23  }
0x10: {  	s22 =	sshrl.u32 s1, $0x1;
	s6 =	sadd.s32 s6, s3;
	[dreg:$0xd] =	wrdreg s24  }
0x11: {  	s3 =	sadd.s32 $0x1400, s3;
	s1 =	ssub.s32 s1, s22;
	[dreg:$0xe] =	wrdreg s25  }
0x12: {  	[dreg:$0xf] =	wrdreg s26;
	s15 =	simm.s32 $0xA200;
	s16 =	simm.s32 $0xAA00  }
0x13: {  	s17 =	simm.s32 $0xB200;
	s18 =	simm.s32 $0xBA00;
	s19 =	simm.s32 $0xC200  }
0x14: {  	s20 =	simm.s32 $0xCA00;
	s21 =	simm.s32 $0xD200;
	s22 =	simm.s32 $0xDA00  }
0x15: {  	s23 =	simm.s32 $0xE200;
	s24 =	simm.s32 $0xEA00;
	s6 =	sadd.s32 $0x41400, s6  }
0x16: {  	v2 =	vlaneseq.u32;
	s25 =	simm.s32 $0xF200;
	s4 =	sadd.s32 s4, s5;
	[dreg:$0x3] =	wrdreg s6  }
0x17: {  	vm0 =	vmmov $0xffff;
	v1 =	vshrl.u32 v2, $0x3;
	s26 =	simm.s32 $0xFA00;
	s5 =	simm.s32 $0x2;
	[dreg:$0x4] =	wrdreg s4  }
0x18: {  	v0 =	vand.u32 $0x7, v2;
	v2 =	vor.u32 $0x8, v2;
	v1 =	vmul.u32 $0x8, v1;
	s4 =	smax.u32 s1, $0x1;
	s6 =	simm.s32 $0x200;
	s1 =	simm.s32 $0x1  }
.LBB2_1:
0x19: {  	s0 =	rddreg [dreg:$0x3]  }
0x1a: {  	[tilespmem:s2], [sflag:$0x2] =	stream.linear.gather [hbm4b:s0+s2], $0x180, $0x38;
	[tilespmem:$0x12200] =	vst v63  }
0x1b: {  	_ =	swait.ge [sflag:s5], $0x180  }
0x1c: {  	[sflag:s5] =	ssyncset.done $0x0  }
0x1d: {  	[sflag:s5] =	ssyncadd.s32 $0xFFFFFE80  }
0x1e: {  	v3 =	vld [tilespmem:$0x0];
	_ =	sdelay $0x4  }
0x1f: {  	v4 =	vshll.u32 v3, $0x1  }
0x20: {  	v3 =	vand.u32 $0x7, v3;
	v4 =	vand.u32 $0xFFFFFFF0, v4  }
0x21: {  	v3 =	vor.u32 v3, v4  }
0x22: {  	v4 =	vperm.xlane v3, v0;
	_ =	sdelay $0x1  }
0x23: {  	v3 =	vperm.xlane v3, v2;
	v4 =	vadd.s32 v1, v4;
	_ =	sdelay $0x1  }
0x24: {  	v3 =	vadd.s32 v1, v3;
	_ =	sdelay $0x2  }
0x25: {  	[tilespmem:s6], [sflag:$0x1] =	stream.indirect_vreg.gather [hbm4b:s3+s2], $0x80, v4, vm0, $0xb8;
	[tilespmem:$0x12200] =	vst v63  }
0x26: {  	s7 =	rddreg [dreg:$0x5]  }
0x27: {  	[tilespmem:s7], [sflag:$0x1] =	stream.indirect_vreg.gather [hbm4b:s3+s2], $0x80, v3, vm0, $0xb8;
	[tilespmem:$0x12200] =	vst v63  }
0x28: {  	v3 =	vld [tilespmem:$0x10];
	_ =	sdelay $0x4  }
0x29: {  	v47 =	vshll.u32 v3, $0x1  }
0x2a: {  	v3 =	vand.u32 $0x7, v3;
	v4 =	vand.u32 $0xFFFFFFF0, v47  }
0x2b: {  	v3 =	vor.u32 v3, v4  }
0x2c: {  	v4 =	vperm.xlane v3, v0;
	_ =	sdelay $0x1  }
0x2d: {  	v3 =	vperm.xlane v3, v2;
	v4 =	vadd.s32 v1, v4;
	_ =	sdelay $0x1  }
0x2e: {  	v3 =	vadd.s32 v1, v3;
	_ =	sdelay $0x1  }
0x2f: {  	s0 =	rddreg [dreg:$0x6]  }
0x30: {  	[tilespmem:s0], [sflag:$0x1] =	stream.indirect_vreg.gather [hbm4b:s3+s2], $0x80, v4, vm0, $0xb8;
	[tilespmem:$0x12200] =	vst v63  }
0x31: {  	s7 =	rddreg [dreg:$0x7]  }
0x32: {  	[tilespmem:s7], [sflag:$0x1] =	stream.indirect_vreg.gather [hbm4b:s3+s2], $0x80, v3, vm0, $0xb8;
	[tilespmem:$0x12200] =	vst v63  }
0x33: {  	v3 =	vld [tilespmem:$0x20];
	_ =	sdelay $0x4  }
0x34: {  	v48 =	vshll.u32 v3, $0x1  }
0x35: {  	v3 =	vand.u32 $0x7, v3;
	v4 =	vand.u32 $0xFFFFFFF0, v48  }
0x36: {  	v3 =	vor.u32 v3, v4  }
0x37: {  	v4 =	vperm.xlane v3, v0;
	_ =	sdelay $0x1  }
0x38: {  	v3 =	vperm.xlane v3, v2;
	v4 =	vadd.s32 v1, v4;
	_ =	sdelay $0x1  }
0x39: {  	v3 =	vadd.s32 v1, v3;
	_ =	sdelay $0x1  }
0x3a: {  	s0 =	rddreg [dreg:$0x8]  }
0x3b: {  	[tilespmem:s0], [sflag:$0x1] =	stream.indirect_vreg.gather [hbm4b:s3+s2], $0x80, v4, vm0, $0xb8;
	[tilespmem:$0x12200] =	vst v63  }
0x3c: {  	s7 =	rddreg [dreg:$0x9]  }
0x3d: {  	[tilespmem:s7], [sflag:$0x1] =	stream.indirect_vreg.gather [hbm4b:s3+s2], $0x80, v3, vm0, $0xb8;
	[tilespmem:$0x12200] =	vst v63  }
0x3e: {  	v3 =	vld [tilespmem:$0x30];
	_ =	sdelay $0x4  }
0x3f: {  	v49 =	vshll.u32 v3, $0x1  }
0x40: {  	v3 =	vand.u32 $0x7, v3;
	v4 =	vand.u32 $0xFFFFFFF0, v49  }
0x41: {  	v3 =	vor.u32 v3, v4  }
0x42: {  	v4 =	vperm.xlane v3, v0;
	_ =	sdelay $0x1  }
0x43: {  	v3 =	vperm.xlane v3, v2;
	v4 =	vadd.s32 v1, v4;
	_ =	sdelay $0x1  }
0x44: {  	v3 =	vadd.s32 v1, v3;
	_ =	sdelay $0x1  }
0x45: {  	s0 =	rddreg [dreg:$0xa]  }
0x46: {  	[tilespmem:s0], [sflag:$0x1] =	stream.indirect_vreg.gather [hbm4b:s3+s2], $0x80, v4, vm0, $0xb8;
	[tilespmem:$0x12200] =	vst v63  }
0x47: {  	s7 =	rddreg [dreg:$0xb]  }
0x48: {  	[tilespmem:s7], [sflag:$0x1] =	stream.indirect_vreg.gather [hbm4b:s3+s2], $0x80, v3, vm0, $0xb8;
	[tilespmem:$0x12200] =	vst v63  }
0x49: {  	v3 =	vld [tilespmem:$0x40];
	_ =	sdelay $0x4  }
0x4a: {  	v50 =	vshll.u32 v3, $0x1  }
0x4b: {  	v3 =	vand.u32 $0x7, v3;
	v4 =	vand.u32 $0xFFFFFFF0, v50  }
0x4c: {  	v3 =	vor.u32 v3, v4  }
0x4d: {  	v4 =	vperm.xlane v3, v0;
	_ =	sdelay $0x1  }
0x4e: {  	v3 =	vperm.xlane v3, v2;
	v4 =	vadd.s32 v1, v4;
	_ =	sdelay $0x1  }
0x4f: {  	v3 =	vadd.s32 v1, v3;
	_ =	sdelay $0x1  }
0x50: {  	s0 =	rddreg [dreg:$0xc]  }
0x51: {  	[tilespmem:s0], [sflag:$0x1] =	stream.indirect_vreg.gather [hbm4b:s3+s2], $0x80, v4, vm0, $0xb8;
	[tilespmem:$0x12200] =	vst v63  }
0x52: {  	s7 =	rddreg [dreg:$0xd]  }
0x53: {  	[tilespmem:s7], [sflag:$0x1] =	stream.indirect_vreg.gather [hbm4b:s3+s2], $0x80, v3, vm0, $0xb8;
	[tilespmem:$0x12200] =	vst v63  }
0x54: {  	v3 =	vld [tilespmem:$0x50];
	_ =	sdelay $0x4  }
0x55: {  	v51 =	vshll.u32 v3, $0x1  }
0x56: {  	v3 =	vand.u32 $0x7, v3;
	v4 =	vand.u32 $0xFFFFFFF0, v51  }
0x57: {  	v3 =	vor.u32 v3, v4  }
0x58: {  	v4 =	vperm.xlane v3, v0;
	_ =	sdelay $0x1  }
0x59: {  	v3 =	vperm.xlane v3, v2;
	v4 =	vadd.s32 v1, v4;
	_ =	sdelay $0x1  }
0x5a: {  	v3 =	vadd.s32 v1, v3;
	_ =	sdelay $0x1  }
0x5b: {  	s0 =	rddreg [dreg:$0xe]  }
0x5c: {  	[tilespmem:s0], [sflag:$0x1] =	stream.indirect_vreg.gather [hbm4b:s3+s2], $0x80, v4, vm0, $0xb8;
	[tilespmem:$0x12200] =	vst v63  }
0x5d: {  	s7 =	rddreg [dreg:$0xf]  }
0x5e: {  	[tilespmem:s7], [sflag:$0x1] =	stream.indirect_vreg.gather [hbm4b:s3+s2], $0x80, v3, vm0, $0xb8;
	[tilespmem:$0x12200] =	vst v63  }
0x5f: {  	v3 =	vld [tilespmem:$0x80];
	_ =	sdelay $0x4  }
0x60: {  	v52 =	vshll.u32 v3, $0x1  }
0x61: {  	v3 =	vand.u32 $0x7, v3;
	v4 =	vand.u32 $0xFFFFFFF0, v52  }
0x62: {  	v3 =	vor.u32 v3, v4  }
0x63: {  	v4 =	vperm.xlane v3, v0;
	_ =	sdelay $0x1  }
0x64: {  	v3 =	vperm.xlane v3, v2;
	v4 =	vadd.s32 v1, v4;
	_ =	sdelay $0x1  }
0x65: {  	v3 =	vadd.s32 v1, v3;
	_ =	sdelay $0x1  }
0x66: {  	s7 =	simm.s32 $0x6200  }
0x67: {  	[tilespmem:s7], [sflag:$0x1] =	stream.indirect_vreg.gather [hbm4b:s3+s2], $0x80, v4, vm0, $0xb8;
	[tilespmem:$0x12200] =	vst v63  }
0x68: {  	_ = 	snop  }
0x69: {  	[tilespmem:s8], [sflag:$0x1] =	stream.indirect_vreg.gather [hbm4b:s3+s2], $0x80, v3, vm0, $0xb8;
	[tilespmem:$0x12200] =	vst v63  }
0x6a: {  	v3 =	vld [tilespmem:$0x90];
	_ =	sdelay $0x4  }
0x6b: {  	v53 =	vshll.u32 v3, $0x1  }
0x6c: {  	v3 =	vand.u32 $0x7, v3;
	v4 =	vand.u32 $0xFFFFFFF0, v53  }
0x6d: {  	v3 =	vor.u32 v3, v4  }
0x6e: {  	v4 =	vperm.xlane v3, v0;
	_ =	sdelay $0x1  }
0x6f: {  	v3 =	vperm.xlane v3, v2;
	v4 =	vadd.s32 v1, v4;
	_ =	sdelay $0x1  }
0x70: {  	v3 =	vadd.s32 v1, v3;
	_ =	sdelay $0x2  }
0x71: {  	[tilespmem:s9], [sflag:$0x1] =	stream.indirect_vreg.gather [hbm4b:s3+s2], $0x80, v4, vm0, $0xb8;
	[tilespmem:$0x12200] =	vst v63  }
0x72: {  	_ = 	snop  }
0x73: {  	[tilespmem:s10], [sflag:$0x1] =	stream.indirect_vreg.gather [hbm4b:s3+s2], $0x80, v3, vm0, $0xb8;
	[tilespmem:$0x12200] =	vst v63  }
0x74: {  	v3 =	vld [tilespmem:$0xA0];
	_ =	sdelay $0x4  }
0x75: {  	v54 =	vshll.u32 v3, $0x1  }
0x76: {  	v3 =	vand.u32 $0x7, v3;
	v4 =	vand.u32 $0xFFFFFFF0, v54  }
0x77: {  	v3 =	vor.u32 v3, v4  }
0x78: {  	v4 =	vperm.xlane v3, v0;
	_ =	sdelay $0x1  }
0x79: {  	v3 =	vperm.xlane v3, v2;
	v4 =	vadd.s32 v1, v4;
	_ =	sdelay $0x1  }
0x7a: {  	v3 =	vadd.s32 v1, v3;
	_ =	sdelay $0x2  }
0x7b: {  	[tilespmem:s11], [sflag:$0x1] =	stream.indirect_vreg.gather [hbm4b:s3+s2], $0x80, v4, vm0, $0xb8;
	[tilespmem:$0x12200] =	vst v63  }
0x7c: {  	_ = 	snop  }
0x7d: {  	[tilespmem:s12], [sflag:$0x1] =	stream.indirect_vreg.gather [hbm4b:s3+s2], $0x80, v3, vm0, $0xb8;
	[tilespmem:$0x12200] =	vst v63  }
0x7e: {  	v3 =	vld [tilespmem:$0xB0];
	_ =	sdelay $0x4  }
0x7f: {  	v55 =	vshll.u32 v3, $0x1  }
0x80: {  	v3 =	vand.u32 $0x7, v3;
	v4 =	vand.u32 $0xFFFFFFF0, v55  }
0x81: {  	v3 =	vor.u32 v3, v4  }
0x82: {  	v4 =	vperm.xlane v3, v0;
	_ =	sdelay $0x1  }
0x83: {  	v3 =	vperm.xlane v3, v2;
	v4 =	vadd.s32 v1, v4;
	_ =	sdelay $0x1  }
0x84: {  	v3 =	vadd.s32 v1, v3;
	_ =	sdelay $0x2  }
0x85: {  	[tilespmem:s13], [sflag:$0x1] =	stream.indirect_vreg.gather [hbm4b:s3+s2], $0x80, v4, vm0, $0xb8;
	[tilespmem:$0x12200] =	vst v63  }
0x86: {  	_ = 	snop  }
0x87: {  	[tilespmem:s14], [sflag:$0x1] =	stream.indirect_vreg.gather [hbm4b:s3+s2], $0x80, v3, vm0, $0xb8;
	[tilespmem:$0x12200] =	vst v63  }
0x88: {  	v3 =	vld [tilespmem:$0xC0];
	_ =	sdelay $0x4  }
0x89: {  	v56 =	vshll.u32 v3, $0x1  }
0x8a: {  	v3 =	vand.u32 $0x7, v3;
	v4 =	vand.u32 $0xFFFFFFF0, v56  }
0x8b: {  	v3 =	vor.u32 v3, v4  }
0x8c: {  	v4 =	vperm.xlane v3, v0;
	_ =	sdelay $0x1  }
0x8d: {  	v3 =	vperm.xlane v3, v2;
	v4 =	vadd.s32 v1, v4;
	_ =	sdelay $0x1  }
0x8e: {  	v3 =	vadd.s32 v1, v3;
	_ =	sdelay $0x2  }
0x8f: {  	[tilespmem:s15], [sflag:$0x1] =	stream.indirect_vreg.gather [hbm4b:s3+s2], $0x80, v4, vm0, $0xb8;
	[tilespmem:$0x12200] =	vst v63  }
0x90: {  	_ = 	snop  }
0x91: {  	[tilespmem:s16], [sflag:$0x1] =	stream.indirect_vreg.gather [hbm4b:s3+s2], $0x80, v3, vm0, $0xb8;
	[tilespmem:$0x12200] =	vst v63  }
0x92: {  	v3 =	vld [tilespmem:$0xD0];
	_ =	sdelay $0x4  }
0x93: {  	v57 =	vshll.u32 v3, $0x1  }
0x94: {  	v3 =	vand.u32 $0x7, v3;
	v4 =	vand.u32 $0xFFFFFFF0, v57  }
0x95: {  	v3 =	vor.u32 v3, v4  }
0x96: {  	v4 =	vperm.xlane v3, v0;
	_ =	sdelay $0x1  }
0x97: {  	v3 =	vperm.xlane v3, v2;
	v4 =	vadd.s32 v1, v4;
	_ =	sdelay $0x1  }
0x98: {  	v3 =	vadd.s32 v1, v3;
	_ =	sdelay $0x2  }
0x99: {  	[tilespmem:s17], [sflag:$0x1] =	stream.indirect_vreg.gather [hbm4b:s3+s2], $0x80, v4, vm0, $0xb8;
	[tilespmem:$0x12200] =	vst v63  }
0x9a: {  	_ = 	snop  }
0x9b: {  	[tilespmem:s18], [sflag:$0x1] =	stream.indirect_vreg.gather [hbm4b:s3+s2], $0x80, v3, vm0, $0xb8;
	[tilespmem:$0x12200] =	vst v63  }
0x9c: {  	v3 =	vld [tilespmem:$0x100];
	_ =	sdelay $0x4  }
0x9d: {  	v58 =	vshll.u32 v3, $0x1  }
0x9e: {  	v3 =	vand.u32 $0x7, v3;
	v4 =	vand.u32 $0xFFFFFFF0, v58  }
0x9f: {  	v3 =	vor.u32 v3, v4  }
0xa0: {  	v4 =	vperm.xlane v3, v0;
	_ =	sdelay $0x1  }
0xa1: {  	v3 =	vperm.xlane v3, v2;
	v4 =	vadd.s32 v1, v4;
	_ =	sdelay $0x1  }
0xa2: {  	v3 =	vadd.s32 v1, v3;
	_ =	sdelay $0x2  }
0xa3: {  	[tilespmem:s19], [sflag:$0x1] =	stream.indirect_vreg.gather [hbm4b:s3+s2], $0x80, v4, vm0, $0xb8;
	[tilespmem:$0x12200] =	vst v63  }
0xa4: {  	_ = 	snop  }
0xa5: {  	[tilespmem:s20], [sflag:$0x1] =	stream.indirect_vreg.gather [hbm4b:s3+s2], $0x80, v3, vm0, $0xb8;
	[tilespmem:$0x12200] =	vst v63  }
0xa6: {  	v3 =	vld [tilespmem:$0x110];
	_ =	sdelay $0x4  }
0xa7: {  	v59 =	vshll.u32 v3, $0x1  }
0xa8: {  	v3 =	vand.u32 $0x7, v3;
	v4 =	vand.u32 $0xFFFFFFF0, v59  }
0xa9: {  	v3 =	vor.u32 v3, v4  }
0xaa: {  	v4 =	vperm.xlane v3, v0;
	_ =	sdelay $0x1  }
0xab: {  	v3 =	vperm.xlane v3, v2;
	v4 =	vadd.s32 v1, v4;
	_ =	sdelay $0x1  }
0xac: {  	v3 =	vadd.s32 v1, v3;
	_ =	sdelay $0x2  }
0xad: {  	[tilespmem:s21], [sflag:$0x1] =	stream.indirect_vreg.gather [hbm4b:s3+s2], $0x80, v4, vm0, $0xb8;
	[tilespmem:$0x12200] =	vst v63  }
0xae: {  	_ = 	snop  }
0xaf: {  	[tilespmem:s22], [sflag:$0x1] =	stream.indirect_vreg.gather [hbm4b:s3+s2], $0x80, v3, vm0, $0xb8;
	[tilespmem:$0x12200] =	vst v63  }
0xb0: {  	v3 =	vld [tilespmem:$0x120];
	_ =	sdelay $0x4  }
0xb1: {  	v60 =	vshll.u32 v3, $0x1  }
0xb2: {  	v3 =	vand.u32 $0x7, v3;
	v4 =	vand.u32 $0xFFFFFFF0, v60  }
0xb3: {  	v3 =	vor.u32 v3, v4  }
0xb4: {  	v4 =	vperm.xlane v3, v0;
	_ =	sdelay $0x1  }
0xb5: {  	v3 =	vperm.xlane v3, v2;
	v4 =	vadd.s32 v1, v4;
	_ =	sdelay $0x1  }
0xb6: {  	v3 =	vadd.s32 v1, v3;
	_ =	sdelay $0x2  }
0xb7: {  	[tilespmem:s23], [sflag:$0x1] =	stream.indirect_vreg.gather [hbm4b:s3+s2], $0x80, v4, vm0, $0xb8;
	[tilespmem:$0x12200] =	vst v63  }
0xb8: {  	_ = 	snop  }
0xb9: {  	[tilespmem:s24], [sflag:$0x1] =	stream.indirect_vreg.gather [hbm4b:s3+s2], $0x80, v3, vm0, $0xb8;
	[tilespmem:$0x12200] =	vst v63  }
0xba: {  	v3 =	vld [tilespmem:$0x130];
	_ =	sdelay $0x4  }
0xbb: {  	v61 =	vshll.u32 v3, $0x1  }
0xbc: {  	v3 =	vand.u32 $0x7, v3;
	v4 =	vand.u32 $0xFFFFFFF0, v61  }
0xbd: {  	v3 =	vor.u32 v3, v4  }
0xbe: {  	v4 =	vperm.xlane v3, v0;
	_ =	sdelay $0x1  }
0xbf: {  	v3 =	vperm.xlane v3, v2;
	v4 =	vadd.s32 v1, v4;
	_ =	sdelay $0x1  }
0xc0: {  	v3 =	vadd.s32 v1, v3;
	_ =	sdelay $0x2  }
0xc1: {  	[tilespmem:s25], [sflag:$0x1] =	stream.indirect_vreg.gather [hbm4b:s3+s2], $0x80, v4, vm0, $0xb8;
	[tilespmem:$0x12200] =	vst v63  }
0xc2: {  	_ = 	snop  }
0xc3: {  	[tilespmem:s26], [sflag:$0x1] =	stream.indirect_vreg.gather [hbm4b:s3+s2], $0x80, v3, vm0, $0xb8;
	[tilespmem:$0x12200] =	vst v63  }
0xc4: {  	v3 =	vld [tilespmem:$0x140];
	_ =	sdelay $0x4  }
0xc5: {  	v62 =	vshll.u32 v3, $0x1  }
0xc6: {  	v3 =	vand.u32 $0x7, v3;
	v4 =	vand.u32 $0xFFFFFFF0, v62  }
0xc7: {  	v3 =	vor.u32 v3, v4  }
0xc8: {  	v4 =	vperm.xlane v3, v0;
	_ =	sdelay $0x1  }
0xc9: {  	v3 =	vperm.xlane v3, v2;
	v4 =	vadd.s32 v1, v4;
	_ =	sdelay $0x1  }
0xca: {  	v3 =	vadd.s32 v1, v3;
	_ =	sdelay $0x2  }
0xcb: {  	[tilespmem:s28], [sflag:$0x1] =	stream.indirect_vreg.gather [hbm4b:s3+s2], $0x80, v4, vm0, $0xb8;
	[tilespmem:$0x12200] =	vst v63  }
0xcc: {  	_ = 	snop  }
0xcd: {  	[tilespmem:s29], [sflag:$0x1] =	stream.indirect_vreg.gather [hbm4b:s3+s2], $0x80, v3, vm0, $0xb8;
	[tilespmem:$0x12200] =	vst v63  }
0xce: {  	v3 =	vld [tilespmem:$0x150];
	_ =	sdelay $0x4  }
0xcf: {  	v63 =	vshll.u32 v3, $0x1  }
0xd0: {  	v3 =	vand.u32 $0x7, v3;
	v4 =	vand.u32 $0xFFFFFFF0, v63  }
0xd1: {  	v3 =	vor.u32 v3, v4  }
0xd2: {  	v4 =	vperm.xlane v3, v0;
	_ =	sdelay $0x1  }
0xd3: {  	v3 =	vperm.xlane v3, v2;
	v4 =	vadd.s32 v1, v4;
	_ =	sdelay $0x1  }
0xd4: {  	v3 =	vadd.s32 v1, v3;
	_ =	sdelay $0x2  }
0xd5: {  	[tilespmem:s30], [sflag:$0x1] =	stream.indirect_vreg.gather [hbm4b:s3+s2], $0x80, v4, vm0, $0xb8;
	[tilespmem:$0x12200] =	vst v63  }
0xd6: {  	_ = 	snop  }
0xd7: {  	[tilespmem:s31], [sflag:$0x1] =	stream.indirect_vreg.gather [hbm4b:s3+s2], $0x80, v3, vm0, $0xb8;
	[tilespmem:$0x12200] =	vst v63  }
0xd8: {  	_ =	swait.ge [sflag:s1], $0x6000  }
0xd9: {  	[sflag:s1] =	ssyncset.done $0x0  }
0xda: {  	[sflag:s1] =	ssyncadd.s32 $0xFFFFA000  }
0xdb: {  	_ =	swait.ge [sflag:s1], $0x6000  }
0xdc: {  	[sflag:s1] =	ssyncset.done $0x0  }
0xdd: {  	[sflag:s1] =	ssyncadd.s32 $0xFFFFA000  }
0xde: {  	_ =	swait.ge [sflag:s1], $0x6000  }
0xdf: {  	p0 =	sne.s32 s4, $0x1;
	[sflag:s1] =	ssyncset.done $0x0  }
.Ltmp0:
0xe0: {  	s7 =	rddreg [dreg:$0x4];
	[sflag:s1] =	ssyncadd.s32 $0xFFFFA000;
	(pc) =	sbr.rel @p0 .LBB2_1-.Ltmp0, $4  }
0xe1: {  	[hbm4b:s7+s2] =	stream.linear.scatter [tilespmem:s6], [sflag:$0x2], $0x12000, $0x38;
	[tilespmem:$0x12200] =	vst v63  }
0xe2: {  	_ =	swait.ge [sflag:s5], $0x12000  }
0xe3: {  	[sflag:s5] =	ssyncset.done $0x0  }
0xe4: {  	s4 =	sadd.s32 $0xFFFFFFFF, s4;
	[sflag:s5] =	ssyncadd.s32 $0xFFFEE000  }
0xe5: {  	_ =	sfence.sel $0x180000  }
0xe6: {  	[bflag:$0x0] =	sbarrier.arrive $0xFFFF  }
0xe7: {  	_ =	strace $0x90000047  }
0xe8: {  	s0 =	stileid.u32;
	[bflag:$0x2] =	sbarrier.arrive $0xFFFF  }
0xe9: {  	p0 =	sne.s32 s0, $0x0;
	s0 =	rddreg [dreg:$0x2]  }
0xea: {  	s0 =	sadd.s32 @!p0 $0x100000, s0  }
0xeb: {  	[sflag:s0] =	ssyncadd.tile.s32 @!p0 $0x1;
	_ =	shalt  }
.Lfunc_end2:
_tile_overlayer_lowered:
.L_overlay_start_2:
0xec: {  	(tag) =	ssettag $0x2  }
0xed: {  	s0 =	rddreg [dreg:$0x0];
	s2 =	stileid.u32  }
0xee: {  	s1 =	rddreg [dreg:$0x1];
	p0 =	sne.s32 s2, $0x0  }
0xef: {  	s3 =	rddreg [dreg:$0x2];
	[bflag:$0x3] =	sbarrier.arrive $0xFFFF;
	s2 =	simm.s32 @!p0 $0x1C02  }
0xf0: {  	[timem:s3], [sflag:s2] =	dma.local @!p0 [hbm:s0], s1  }
0xf1: {  	s0 =	simm.s32 @!p0 $0x2  }
0xf2: {  	_ =	swait.ge @!p0 [sflag:s0], s1  }
0xf3: {  	s1 =	ssub.s32 @!p0 $0x0, s1;
	[sflag:s0] =	ssyncset.done @!p0 $0x0  }
0xf4: {  	[sflag:s0] =	ssyncadd.s32 @!p0 s1  }
0xf5: {  	[bflag:$0x3] =	sbarrier.arrive $0xFFFF  }
0xf6: {  	_ =	shalt  }

</sc_bundles>
